<compile_context>
chip_gen: v7x
topology: tpu7x:2x2x1
jax: 0.10.2.dev20260603
libtpu: 0.0.44.dev20260713+nightly
codegen_flags: <defaults>
</compile_context>

<pallas_src>
import functools

import jax
import jax.numpy as jnp
from jax import lax
from jax.experimental import pallas as pl
from jax.experimental.pallas import tpu as pltpu
from jax.experimental.pallas import tpu_sc as plsc

N_GRAPHS = 64
NC = 2
NS = 16
NW = NC * NS
K = 128

_HIGH = jax.lax.Precision.HIGHEST


SB = 16


@functools.partial(jax.jit, static_argnames=("chunks", "n_pad", "h_dim"))
def _sc_spmm(h, src3, dst3, zeros, *, chunks, n_pad, h_dim):
  mesh = plsc.VectorSubcoreMesh(core_axis_name="c", subcore_axis_name="s")
  rpt = n_pad // NS
  supers = chunks // SB

  @functools.partial(
      pl.kernel,
      out_type=jax.ShapeDtypeStruct((NC, n_pad, h_dim), jnp.float32),
      mesh=mesh,
      scratch_types=[
          pltpu.VMEM((2, SB, K), jnp.int32),
          pltpu.VMEM((2, SB, K), jnp.int32),
          pltpu.VMEM((2, K, h_dim), jnp.float32),
          pltpu.VMEM_SHARED((n_pad, h_dim), jnp.float32),
          pltpu.SemaphoreType.DMA((2,)),
          pltpu.SemaphoreType.DMA((2, 2)),
      ],
  )
  def spmm(h_hbm, src_hbm, dst_hbm, z_hbm, out_hbm, src_sv, dst_sv, rows_v,
           acc, gsems, isems):
    c = lax.axis_index("c")
    s = lax.axis_index("s")
    w = c * NS + s
    pltpu.async_copy(src_hbm.at[w, pl.ds(0, SB)], src_sv.at[0],
                     isems.at[0, 0])
    pltpu.async_copy(dst_hbm.at[w, pl.ds(0, SB)], dst_sv.at[0],
                     isems.at[0, 1])
    pltpu.sync_copy(z_hbm.at[pl.ds(s * rpt, rpt)], acc.at[pl.ds(s * rpt, rpt)])
    plsc.subcore_barrier()

    def outer(sb, carry):
      ib = lax.rem(sb, 2)
      nib = lax.rem(sb + 1, 2)
      pltpu.make_async_copy(src_hbm.at[w, pl.ds(0, SB)], src_sv.at[ib],
                            isems.at[ib, 0]).wait()
      pltpu.make_async_copy(dst_hbm.at[w, pl.ds(0, SB)], dst_sv.at[ib],
                            isems.at[ib, 1]).wait()

      @pl.when(sb + 1 < supers)
      def _():
        pltpu.async_copy(src_hbm.at[w, pl.ds((sb + 1) * SB, SB)],
                         src_sv.at[nib], isems.at[nib, 0])
        pltpu.async_copy(dst_hbm.at[w, pl.ds((sb + 1) * SB, SB)],
                         dst_sv.at[nib], isems.at[nib, 1])

      pltpu.async_copy(h_hbm.at[src_sv.at[ib, 0]], rows_v.at[0],
                       gsems.at[0])

      def inner(jo, carry2):
        bi = lax.rem(jo, 2)
        nbi = lax.rem(jo + 1, 2)

        @pl.when(jo + 1 < SB)
        def _():
          pltpu.async_copy(h_hbm.at[src_sv.at[ib, jo + 1]], rows_v.at[nbi],
                           gsems.at[nbi])

        pltpu.make_async_copy(h_hbm.at[src_sv.at[ib, 0]], rows_v.at[bi],
                              gsems.at[bi]).wait()
        pltpu.sync_copy(rows_v.at[bi], acc.at[dst_sv.at[ib, jo]], add=True)
        return carry2

      lax.fori_loop(0, SB, inner, 0)
      return carry

    lax.fori_loop(0, supers, outer, 0)
    plsc.subcore_barrier()
    pltpu.sync_copy(acc.at[pl.ds(s * rpt, rpt)],
                    out_hbm.at[c, pl.ds(s * rpt, rpt)])

  return spmm(h, src3, dst3, zeros)


@functools.partial(jax.jit, static_argnames=("chunks", "n_pad", "d", "h_dim"))
def _sc_eagg(e_attr, dst3, zeros, *, chunks, n_pad, d, h_dim):
  mesh = plsc.VectorSubcoreMesh(core_axis_name="c", subcore_axis_name="s")
  rpt = n_pad // NS

  per_row = h_dim // d
  kc = K // per_row

  @functools.partial(
      pl.kernel,
      out_type=jax.ShapeDtypeStruct((NC, n_pad, h_dim), jnp.float32),
      mesh=mesh,
      scratch_types=[
          pltpu.VMEM((chunks, K), jnp.int32),
          pltpu.VMEM((2, kc, h_dim), jnp.float32),
          pltpu.VMEM((K, h_dim), jnp.float32),
          pltpu.VMEM_SHARED((n_pad, h_dim), jnp.float32),
          pltpu.SemaphoreType.DMA((2,)),
      ],
  )
  def eagg(ea_hbm, dst_hbm, z_hbm, out_hbm, dst_v, ebuf_c, ebuf, acc, sems):
    c = lax.axis_index("c")
    s = lax.axis_index("s")
    w = c * NS + s
    pltpu.sync_copy(z_hbm.at[pl.ds(s * rpt, rpt)], acc.at[pl.ds(s * rpt, rpt)])
    pltpu.sync_copy(dst_hbm.at[w], dst_v)
    pltpu.sync_copy(z_hbm.at[pl.ds(0, K)], ebuf)
    plsc.subcore_barrier()
    base_c = w * (chunks * kc)

    pltpu.async_copy(ea_hbm.at[pl.ds(base_c, kc)], ebuf_c.at[0], sems.at[0])

    def body(j, carry):
      bi = lax.rem(j, 2)
      ni = lax.rem(j + 1, 2)

      @pl.when(j + 1 < chunks)
      def _():
        pltpu.async_copy(ea_hbm.at[pl.ds(base_c + (j + 1) * kc, kc)],
                         ebuf_c.at[ni], sems.at[ni])

      pltpu.make_async_copy(ea_hbm.at[pl.ds(base_c, kc)], ebuf_c.at[bi],
                            sems.at[bi]).wait()

      def expand(r, carry2):
        for g in range(per_row):
          ebuf[r * per_row + g, pl.ds(0, d)] = ebuf_c[bi, r, pl.ds(g * d, d)]
        return carry2

      lax.fori_loop(0, kc, expand, 0)
      pltpu.sync_copy(ebuf, acc.at[dst_v.at[j]], add=True)
      return carry

    lax.fori_loop(0, chunks, body, 0)
    plsc.subcore_barrier()
    pltpu.sync_copy(acc.at[pl.ds(s * rpt, rpt)],
                    out_hbm.at[c, pl.ds(s * rpt, rpt)])

  return eagg(e_attr, dst3, zeros)


def _tc_prep(x, emb1, emb2, eagg, w_edge, *, bn, nb):
  def body(x_ref, e1_ref, e2_ref, eg_ref, we_ref, h_ref, ep_ref):
    x0 = x_ref[:, 0:1]
    x1 = x_ref[:, 1:2]
    e1 = e1_ref[...]
    e2 = e2_ref[...]
    h = jnp.where(x0 == 0, e1[0:1, :], jnp.where(x0 == 1, e1[1:2, :],
                                                 e1[2:3, :]))
    h = h + jnp.where(x1 == 0, e2[0:1, :], jnp.where(x1 == 1, e2[1:2, :],
                                                     e2[2:3, :]))
    d = we_ref.shape[0]
    ep = eg_ref[0, :, :d] + eg_ref[1, :, :d]
    h_ref[...] = h
    we = we_ref[...].astype(jnp.bfloat16).astype(jnp.float32)
    ep_ref[...] = jnp.dot(ep, we, precision=_HIGH,
                          preferred_element_type=jnp.float32)

  n, hd = x.shape[0], emb1.shape[1]
  d = w_edge.shape[0]
  return pl.pallas_call(
      body,
      grid=(nb,),
      in_specs=[
          pl.BlockSpec((bn, 2), lambda i: (i, 0)),
          pl.BlockSpec(emb1.shape, lambda i: (0, 0)),
          pl.BlockSpec(emb2.shape, lambda i: (0, 0)),
          pl.BlockSpec((NC, bn, hd), lambda i: (0, i, 0)),
          pl.BlockSpec((d, hd), lambda i: (0, 0)),
      ],
      out_specs=[
          pl.BlockSpec((bn, hd), lambda i: (i, 0)),
          pl.BlockSpec((bn, hd), lambda i: (i, 0)),
      ],
      out_shape=[
          jax.ShapeDtypeStruct((n, hd), jnp.float32),
          jax.ShapeDtypeStruct((n, hd), jnp.float32),
      ],
  )(x, emb1, emb2, eagg, w_edge)


def _tc_layer_mlp(h, s_part, eproj, w1, b1, w2, b2, *, bn, nb):
  def body(h_ref, s_ref, ep_ref, w1_ref, b1_ref, w2_ref, b2_ref, z_ref,
           st_ref):
    i = pl.program_id(0)
    hin = h_ref[...] + s_ref[0] + s_ref[1] + ep_ref[...]
    a = jnp.maximum(
        jnp.dot(hin.astype(jnp.bfloat16), w1_ref[...].astype(jnp.bfloat16),
                preferred_element_type=jnp.float32) + b1_ref[...], 0.0)
    z = jnp.dot(a.astype(jnp.bfloat16), w2_ref[...].astype(jnp.bfloat16),
                preferred_element_type=jnp.float32) + b2_ref[...]
    z_ref[...] = z

    @pl.when(i == 0)
    def _():
      st_ref[0:2, :] = jnp.zeros_like(st_ref[0:2, :])
      st_ref[2:3, :] = jnp.mean(z, axis=0, keepdims=True)

    m0 = st_ref[2:3, :]
    zc = z - m0
    st_ref[0:1, :] += jnp.sum(zc, axis=0, keepdims=True)
    st_ref[1:2, :] += jnp.sum(zc * zc, axis=0, keepdims=True)

  n, hd = h.shape
  h2 = w1.shape[1]
  return pl.pallas_call(
      body,
      grid=(nb,),
      in_specs=[
          pl.BlockSpec((bn, hd), lambda i: (i, 0)),
          pl.BlockSpec((NC, bn, hd), lambda i: (0, i, 0)),
          pl.BlockSpec((bn, hd), lambda i: (i, 0)),
          pl.BlockSpec((hd, h2), lambda i: (0, 0)),
          pl.BlockSpec((1, h2), lambda i: (0, 0)),
          pl.BlockSpec((h2, hd), lambda i: (0, 0)),
          pl.BlockSpec((1, hd), lambda i: (0, 0)),
      ],
      out_specs=[
          pl.BlockSpec((bn, hd), lambda i: (i, 0)),
          pl.BlockSpec((8, hd), lambda i: (0, 0)),
      ],
      out_shape=[
          jax.ShapeDtypeStruct((n, hd), jnp.float32),
          jax.ShapeDtypeStruct((8, hd), jnp.float32),
      ],
  )(h, s_part, eproj, w1, b1, w2, b2)


def _tc_bn(z, stats, gamma, beta, *, relu, n, bn, nb):
  inv_n = 1.0 / n

  def body(z_ref, st_ref, g_ref, b_ref, o_ref):
    dm = st_ref[0:1, :] * inv_n
    mean = st_ref[2:3, :] + dm
    var = st_ref[1:2, :] * inv_n - dm * dm
    rstd = lax.rsqrt(var + 1e-5)
    y = (z_ref[...] - mean) * (rstd * g_ref[...]) + b_ref[...]
    if relu:
      y = jnp.maximum(y, 0.0)
    o_ref[...] = y

  hd = z.shape[1]
  return pl.pallas_call(
      body,
      grid=(nb,),
      in_specs=[
          pl.BlockSpec((bn, hd), lambda i: (i, 0)),
          pl.BlockSpec((8, hd), lambda i: (0, 0)),
          pl.BlockSpec((1, hd), lambda i: (0, 0)),
          pl.BlockSpec((1, hd), lambda i: (0, 0)),
      ],
      out_specs=pl.BlockSpec((bn, hd), lambda i: (i, 0)),
      out_shape=jax.ShapeDtypeStruct(z.shape, jnp.float32),
  )(z, stats, gamma, beta)


def _tc_pool(h, batch2d, w_feat, b_feat, w_out_p, b_out_p, *, bn, nb):
  def body(h_ref, bt_ref, wf_ref, bf_ref, wo_ref, bo_ref, g_ref, l_ref,
           gsum, cnt):
    i = pl.program_id(0)

    @pl.when(i == 0)
    def _():
      gsum[...] = jnp.zeros_like(gsum)
      cnt[...] = jnp.zeros_like(cnt)

    oh = (lax.broadcasted_iota(jnp.int32, (bn, N_GRAPHS), 1)
          == bt_ref[...]).astype(jnp.float32)
    dn = (((0,), (0,)), ((), ()))
    gsum[...] += lax.dot_general(oh, h_ref[...], dn, precision=_HIGH,
                                 preferred_element_type=jnp.float32)
    cnt[...] += lax.dot_general(oh, jnp.ones_like(h_ref[...]), dn,
                                precision=_HIGH,
                                preferred_element_type=jnp.float32)

    @pl.when(i == nb - 1)
    def _():
      g = gsum[...] / jnp.maximum(cnt[...], 1.0)
      go = jnp.dot(g.astype(jnp.bfloat16), wf_ref[...].astype(jnp.bfloat16),
                   preferred_element_type=jnp.float32) + bf_ref[...]
      g_ref[...] = go
      l_ref[...] = jnp.dot(go.astype(jnp.bfloat16),
                           wo_ref[...].astype(jnp.bfloat16),
                           preferred_element_type=jnp.float32) + bo_ref[...]

  hd = h.shape[1]
  return pl.pallas_call(
      body,
      grid=(nb,),
      in_specs=[
          pl.BlockSpec((bn, hd), lambda i: (i, 0)),
          pl.BlockSpec((bn, 1), lambda i: (i, 0)),
          pl.BlockSpec((hd, hd), lambda i: (0, 0)),
          pl.BlockSpec((1, hd), lambda i: (0, 0)),
          pl.BlockSpec((hd, hd), lambda i: (0, 0)),
          pl.BlockSpec((1, hd), lambda i: (0, 0)),
      ],
      out_specs=[
          pl.BlockSpec((N_GRAPHS, hd), lambda i: (0, 0)),
          pl.BlockSpec((N_GRAPHS, hd), lambda i: (0, 0)),
      ],
      out_shape=[
          jax.ShapeDtypeStruct((N_GRAPHS, hd), jnp.float32),
          jax.ShapeDtypeStruct((N_GRAPHS, hd), jnp.float32),
      ],
      scratch_shapes=[
          pltpu.VMEM((N_GRAPHS, hd), jnp.float32),
          pltpu.VMEM((N_GRAPHS, hd), jnp.float32),
      ],
  )(h, batch2d, w_feat, b_feat, w_out_p, b_out_p)


def kernel(x, e_index, e_attr, batch, emb1, emb2, W_edge, W1, b1, W2, b2,
           bn_scale, bn_bias, W_feat, b_feat, W_out, b_out):
  n, hd = x.shape[0], emb1.shape[1]
  e = e_index.shape[1]
  d = e_attr.shape[1]
  num_layers = W1.shape[0]
  n_classes = W_out.shape[1]
  bn = 1000
  nb = n // bn

  chunks = SB * (-(-e // (NW * K * SB)))
  e_pad = NW * chunks * K
  pad = e_pad - e
  n_pad = NS * 8 * (-(-(n + 1) // (NS * 8)))

  src = e_index[0].astype(jnp.int32)
  dst = e_index[1].astype(jnp.int32)
  pad_src = jnp.arange(pad, dtype=jnp.int32) % n
  src3 = jnp.concatenate([src, pad_src]).reshape(NW, chunks, K)
  trash = n + jnp.arange(pad, dtype=jnp.int32) % (n_pad - n)
  dst3 = jnp.concatenate([dst, trash]).reshape(NW, chunks, K)
  ea_bf = e_attr.astype(jnp.bfloat16).astype(jnp.float32)
  ea_c = jnp.concatenate([ea_bf, jnp.zeros((pad, d), jnp.float32)]).reshape(
      e_pad * d // hd, hd)
  zeros_h = jnp.zeros((n_pad, hd), jnp.float32)

  eagg = _sc_eagg(ea_c, dst3, zeros_h, chunks=chunks, n_pad=n_pad, d=d,
                  h_dim=hd)
  h, eproj = _tc_prep(x.astype(jnp.int32), emb1, emb2, eagg, W_edge,
                      bn=bn, nb=nb)

  b1r = b1.reshape(num_layers, 1, -1)
  b2r = b2.reshape(num_layers, 1, -1)
  for l in range(num_layers):
    s_part = _sc_spmm(h, src3, dst3, zeros_h, chunks=chunks, n_pad=n_pad,
                      h_dim=hd)
    z, stats = _tc_layer_mlp(h, s_part, eproj, W1[l], b1r[l], W2[l], b2r[l],
                             bn=bn, nb=nb)
    h = _tc_bn(z, stats, bn_scale[l:l + 1], bn_bias[l:l + 1],
               relu=(l < num_layers - 1), n=n, bn=bn, nb=nb)

  w_out_p = jnp.zeros((hd, hd), jnp.float32).at[:, :n_classes].set(W_out)
  b_out_p = jnp.zeros((1, hd), jnp.float32).at[0, :n_classes].set(b_out)
  g, logits_p = _tc_pool(h, batch.astype(jnp.int32).reshape(n, 1),
                         W_feat, b_feat.reshape(1, hd), w_out_p, b_out_p,
                         bn=bn, nb=nb)
  return (g, logits_p[:, :n_classes])

# --- scband reference (transcript-rebuilt; emitter-appended) ---
"""Pipeline reference for scband-lgencoder-13305808683160 (READ-ONLY COPY).

The authoritative reference and input builder live on the scoring server;
editing this copy changes nothing except your own understanding.
"""

import jax, jax.numpy as jnp
import numpy as np

N_NODES = 10000
N_EDGES = 320000
HIDDEN = 128
OUT_FEAT = 128
D_EDGE = 16
NUM_LAYERS = 3
NUM_GRAPHS = 64
NUM_CLASSES = 2


def _xavier(key, shape):
    fan_in, fan_out = shape[-2], shape[-1]
    lim = float(np.sqrt(6.0 / (fan_in + fan_out)))
    return jax.random.uniform(key, shape, jnp.float32, -lim, lim)


def setup_inputs(seed: int = 0) -> dict:
    key = jax.random.key(seed)
    ks = jax.random.split(key, 20)
    x = jax.random.randint(ks[0], (N_NODES, 2), 0, 3, dtype=jnp.int64)
    e_index = jax.random.randint(ks[1], (2, N_EDGES), 0, N_NODES, dtype=jnp.int64)
    e_attr = jax.random.normal(ks[2], (N_EDGES, D_EDGE), dtype=jnp.float32)
    batch = jnp.sort(jax.random.randint(ks[3], (N_NODES,), 0, NUM_GRAPHS, dtype=jnp.int64))
    emb1 = _xavier(ks[4], (5, HIDDEN))
    emb2 = _xavier(ks[5], (3, HIDDEN))
    W_edge = _xavier(ks[6], (D_EDGE, HIDDEN))
    W1 = _xavier(ks[7], (NUM_LAYERS, HIDDEN, 2 * HIDDEN))
    b1 = jnp.zeros((NUM_LAYERS, 2 * HIDDEN), jnp.float32)
    W2 = _xavier(ks[8], (NUM_LAYERS, 2 * HIDDEN, HIDDEN))
    b2 = jnp.zeros((NUM_LAYERS, HIDDEN), jnp.float32)
    bn_scale = jnp.ones((NUM_LAYERS, HIDDEN), jnp.float32)
    bn_bias = jnp.zeros((NUM_LAYERS, HIDDEN), jnp.float32)
    W_feat = _xavier(ks[9], (HIDDEN, OUT_FEAT))
    b_feat = jnp.zeros((OUT_FEAT,), jnp.float32)
    W_out = _xavier(ks[10], (OUT_FEAT, NUM_CLASSES))
    b_out = jnp.zeros((NUM_CLASSES,), jnp.float32)
    return {
        "x": x, "e_index": e_index, "e_attr": e_attr, "batch": batch,
        "emb1": emb1, "emb2": emb2, "W_edge": W_edge,
        "W1": W1, "b1": b1, "W2": W2, "b2": b2,
        "bn_scale": bn_scale, "bn_bias": bn_bias,
        "W_feat": W_feat, "b_feat": b_feat, "W_out": W_out, "b_out": b_out,
    }


def reference(x, e_index, e_attr, batch, emb1, emb2, W_edge, W1, b1, W2, b2,
              bn_scale, bn_bias, W_feat, b_feat, W_out, b_out):
    n = x.shape[0]
    # node embedding from two categorical feature columns
    h = emb1[x[:, 0]] + emb2[x[:, 1]]
    src = e_index[0]
    dst = e_index[1]
    e_emb = e_attr @ W_edge  # project edge attrs to hidden dim
    num_layers = W1.shape[0]
    for l in range(num_layers):
        # GIN-style message passing with edge features
        msg = h[src] + e_emb                      # gather (memory-bound)
        agg = jax.ops.segment_sum(msg, dst, num_segments=n)  # scatter-add
        h_in = h + agg
        h2 = jax.nn.relu(h_in @ W1[l] + b1[l]) @ W2[l] + b2[l]
        # batch norm (batch statistics)
        mean = h2.mean(axis=0)
        var = h2.var(axis=0)
        h2 = (h2 - mean) / jnp.sqrt(var + 1e-5) * bn_scale[l] + bn_bias[l]
        if l == num_layers - 1:
            h = h2
        else:
            h = jax.nn.relu(h2)
    # graph-level mean pooling by batch segment ids
    counts = jax.ops.segment_sum(jnp.ones((n, 1), jnp.float32), batch, num_segments=NUM_GRAPHS)
    g = jax.ops.segment_sum(h, batch, num_segments=NUM_GRAPHS) / jnp.maximum(counts, 1.0)
    g = g @ W_feat + b_feat
    logits = g @ W_out + b_out
    return (g, logits)

if __name__ == "__main__":
    import jax
    _d = setup_inputs()
    print(jax.jit(kernel)(*tuple(_d.values())))

</pallas_src>

<mosaic_0001>
#map = affine_map<(d0, d1) -> (0, 0)>
#map1 = affine_map<(d0, d1) -> (0, 0, 0)>
module attributes {stable_mosaic.version = 14 : i64} {
  func.func @eagg(%arg0: i32, %arg1: i32, %arg2: memref<40960x128xf32, #tpu.memory_space<hbm>>, %arg3: memref<32x80x128xi32, #tpu.memory_space<hbm>>, %arg4: memref<10112x128xf32, #tpu.memory_space<hbm>>, %arg5: memref<2x10112x128xf32, #tpu.memory_space<hbm>>, %arg6: memref<80x128xi32, #tpu.memory_space<vmem>>, %arg7: memref<2x16x128xf32, #tpu.memory_space<vmem>>, %arg8: memref<128x128xf32, #tpu.memory_space<vmem>>, %arg9: memref<10112x128xf32, #tpu.memory_space<vmem_shared>>, %arg10: memref<2x!tpu.dma_semaphore, #tpu.memory_space<semaphore_mem>>) attributes {dimension_semantics = [#tpu.dimension_semantics<core_parallel>, #tpu.dimension_semantics<subcore_parallel>], iteration_bounds = array<i64: 2, 16>, scalar_prefetch = 0 : i64, scratch_operands = 5 : i64, tpu.core_type = #tpu.core_type<sc_vector_subcore>, window_params = [{transform_indices = #map}, {transform_indices = #map1}, {transform_indices = #map}, {transform_indices = #map1}]} {
    %mul3A = arith.constant 16 : i32
    %mul3A_0 = arith.muli %arg0, %mul3A : i32
    %add3A = arith.addi %mul3A_0, %arg1 : i32
    %mul3A_1 = arith.constant 632 : i32
    %mul3A_2 = arith.muli %arg1, %mul3A_1 : i32
    %mul3A_3 = arith.constant 632 : i32
    %mul3A_4 = arith.muli %arg1, %mul3A_3 : i32
    "tpu.region"() ({
      %run_scoped3A = tpu.sem_alloc : memref<!tpu.dma_semaphore, #tpu.memory_space<semaphore_mem>>
      %dma_start3A_32 = arith.constant 0 : i32
      %dma_start3A_33 = tpu.memref_slice %arg9[%mul3A_4, %dma_start3A_32] : memref<10112x128xf32, #tpu.memory_space<vmem_shared>> -> memref<632x128xf32, #tpu.memory_space<vmem_shared>>
      %dma_start3A_34 = arith.constant 0 : i32
      %dma_start3A_35 = tpu.memref_slice %arg4[%mul3A_2, %dma_start3A_34] : memref<10112x128xf32, #tpu.memory_space<hbm>> -> memref<632x128xf32, #tpu.memory_space<hbm>>
      tpu.enqueue_dma source(%dma_start3A_35 : memref<632x128xf32, #tpu.memory_space<hbm>>) target(%dma_start3A_33 : memref<632x128xf32, #tpu.memory_space<vmem_shared>>) target_semaphore(%run_scoped3A : memref<!tpu.dma_semaphore, #tpu.memory_space<semaphore_mem>>)
      %dma_wait3A = arith.constant 0 : i32
      %dma_wait3A_36 = tpu.memref_slice %arg9[%mul3A_4, %dma_wait3A] : memref<10112x128xf32, #tpu.memory_space<vmem_shared>> -> memref<632x128xf32, #tpu.memory_space<vmem_shared>>
      %dma_wait3A_37 = arith.constant 0 : i32
      %dma_wait3A_38 = tpu.memref_slice %arg4[%mul3A_2, %dma_wait3A_37] : memref<10112x128xf32, #tpu.memory_space<hbm>> -> memref<632x128xf32, #tpu.memory_space<hbm>>
      tpu.wait_dma2 semaphore(%run_scoped3A : memref<!tpu.dma_semaphore, #tpu.memory_space<semaphore_mem>>) src(%dma_wait3A_38 : memref<632x128xf32, #tpu.memory_space<hbm>>) dst(%dma_wait3A_36 : memref<632x128xf32, #tpu.memory_space<vmem_shared>>)
      tpu.yield
    }) : () -> ()
    "tpu.region"() ({
      %run_scoped3A = tpu.sem_alloc : memref<!tpu.dma_semaphore, #tpu.memory_space<semaphore_mem>>
      %dma_start3A_32 = arith.constant 0 : i32
      %dma_start3A_33 = arith.constant 0 : i32
      %dma_start3A_34 = tpu.memref_slice %arg3[%add3A, %dma_start3A_32, %dma_start3A_33] : memref<32x80x128xi32, #tpu.memory_space<hbm>> -> memref<1x80x128xi32, #tpu.memory_space<hbm>>
      %dma_start3A_35 = tpu.memref_squeeze %dma_start3A_34 : memref<1x80x128xi32, #tpu.memory_space<hbm>> -> memref<80x128xi32, #tpu.memory_space<hbm>>
      %dma_start3A_36 = arith.constant 0 : i32
      %dma_start3A_37 = arith.constant 0 : i32
      %dma_start3A_38 = tpu.memref_slice %arg3[%add3A, %dma_start3A_36, %dma_start3A_37] : memref<32x80x128xi32, #tpu.memory_space<hbm>> -> memref<1x80x128xi32, #tpu.memory_space<hbm>>
      %dma_start3A_39 = tpu.memref_squeeze %dma_start3A_38 : memref<1x80x128xi32, #tpu.memory_space<hbm>> -> memref<80x128xi32, #tpu.memory_space<hbm>>
      tpu.enqueue_dma source(%dma_start3A_39 : memref<80x128xi32, #tpu.memory_space<hbm>>) target(%arg6 : memref<80x128xi32, #tpu.memory_space<vmem>>) target_semaphore(%run_scoped3A : memref<!tpu.dma_semaphore, #tpu.memory_space<semaphore_mem>>)
      %dma_wait3A = arith.constant 0 : i32
      %dma_wait3A_40 = arith.constant 0 : i32
      %dma_wait3A_41 = tpu.memref_slice %arg3[%add3A, %dma_wait3A, %dma_wait3A_40] : memref<32x80x128xi32, #tpu.memory_space<hbm>> -> memref<1x80x128xi32, #tpu.memory_space<hbm>>
      %dma_wait3A_42 = tpu.memref_squeeze %dma_wait3A_41 : memref<1x80x128xi32, #tpu.memory_space<hbm>> -> memref<80x128xi32, #tpu.memory_space<hbm>>
      %dma_wait3A_43 = arith.constant 0 : i32
      %dma_wait3A_44 = arith.constant 0 : i32
      %dma_wait3A_45 = tpu.memref_slice %arg3[%add3A, %dma_wait3A_43, %dma_wait3A_44] : memref<32x80x128xi32, #tpu.memory_space<hbm>> -> memref<1x80x128xi32, #tpu.memory_space<hbm>>
      %dma_wait3A_46 = tpu.memref_squeeze %dma_wait3A_45 : memref<1x80x128xi32, #tpu.memory_space<hbm>> -> memref<80x128xi32, #tpu.memory_space<hbm>>
      tpu.wait_dma2 semaphore(%run_scoped3A : memref<!tpu.dma_semaphore, #tpu.memory_space<semaphore_mem>>) src(%dma_wait3A_46 : memref<80x128xi32, #tpu.memory_space<hbm>>) dst(%arg6 : memref<80x128xi32, #tpu.memory_space<vmem>>)
      tpu.yield
    }) : () -> ()
    "tpu.region"() ({
      %run_scoped3A = tpu.sem_alloc : memref<!tpu.dma_semaphore, #tpu.memory_space<semaphore_mem>>
      %dma_start3A_32 = arith.constant 0 : i32
      %dma_start3A_33 = arith.constant 0 : i32
      %dma_start3A_34 = tpu.memref_slice %arg4[%dma_start3A_32, %dma_start3A_33] : memref<10112x128xf32, #tpu.memory_space<hbm>> -> memref<128x128xf32, #tpu.memory_space<hbm>>
      %dma_start3A_35 = arith.constant 0 : i32
      %dma_start3A_36 = arith.constant 0 : i32
      %dma_start3A_37 = tpu.memref_slice %arg4[%dma_start3A_35, %dma_start3A_36] : memref<10112x128xf32, #tpu.memory_space<hbm>> -> memref<128x128xf32, #tpu.memory_space<hbm>>
      tpu.enqueue_dma source(%dma_start3A_37 : memref<128x128xf32, #tpu.memory_space<hbm>>) target(%arg8 : memref<128x128xf32, #tpu.memory_space<vmem>>) target_semaphore(%run_scoped3A : memref<!tpu.dma_semaphore, #tpu.memory_space<semaphore_mem>>)
      %dma_wait3A = arith.constant 0 : i32
      %dma_wait3A_38 = arith.constant 0 : i32
      %dma_wait3A_39 = tpu.memref_slice %arg4[%dma_wait3A, %dma_wait3A_38] : memref<10112x128xf32, #tpu.memory_space<hbm>> -> memref<128x128xf32, #tpu.memory_space<hbm>>
      %dma_wait3A_40 = arith.constant 0 : i32
      %dma_wait3A_41 = arith.constant 0 : i32
      %dma_wait3A_42 = tpu.memref_slice %arg4[%dma_wait3A_40, %dma_wait3A_41] : memref<10112x128xf32, #tpu.memory_space<hbm>> -> memref<128x128xf32, #tpu.memory_space<hbm>>
      tpu.wait_dma2 semaphore(%run_scoped3A : memref<!tpu.dma_semaphore, #tpu.memory_space<semaphore_mem>>) src(%dma_wait3A_42 : memref<128x128xf32, #tpu.memory_space<hbm>>) dst(%arg8 : memref<128x128xf32, #tpu.memory_space<vmem>>)
      tpu.yield
    }) : () -> ()
    %barrier3A = arith.constant 0 : index
    tpu.barrier barrier_id(%barrier3A)
    %mul3A_5 = arith.constant 1280 : i32
    %mul3A_6 = arith.muli %add3A, %mul3A_5 : i32
    %dma_start3A = arith.constant 0 : i32
    %dma_start3A_7 = arith.constant 0 : i32
    %dma_start3A_8 = arith.constant 0 : i32
    %dma_start3A_9 = arith.constant 0 : i32
    %dma_start3A_10 = tpu.memref_slice %arg7[%dma_start3A, %dma_start3A_8, %dma_start3A_9] : memref<2x16x128xf32, #tpu.memory_space<vmem>> -> memref<1x16x128xf32, #tpu.memory_space<vmem>>
    %dma_start3A_11 = tpu.memref_squeeze %dma_start3A_10 : memref<1x16x128xf32, #tpu.memory_space<vmem>> -> memref<16x128xf32, #tpu.memory_space<vmem>>
    %dma_start3A_12 = arith.constant 0 : i32
    %dma_start3A_13 = tpu.memref_slice %arg2[%mul3A_6, %dma_start3A_12] : memref<40960x128xf32, #tpu.memory_space<hbm>> -> memref<16x128xf32, #tpu.memory_space<hbm>>
    %dma_start3A_14 = tpu.memref_slice %arg10[%dma_start3A_7] : memref<2x!tpu.dma_semaphore, #tpu.memory_space<semaphore_mem>> -> memref<1x!tpu.dma_semaphore, #tpu.memory_space<semaphore_mem>>
    %dma_start3A_15 = tpu.memref_squeeze %dma_start3A_14 : memref<1x!tpu.dma_semaphore, #tpu.memory_space<semaphore_mem>> -> memref<!tpu.dma_semaphore, #tpu.memory_space<semaphore_mem>>
    %dma_start3A_16 = arith.constant 0 : i32
    %dma_start3A_17 = arith.constant 0 : i32
    %dma_start3A_18 = tpu.memref_slice %arg7[%dma_start3A, %dma_start3A_16, %dma_start3A_17] : memref<2x16x128xf32, #tpu.memory_space<vmem>> -> memref<1x16x128xf32, #tpu.memory_space<vmem>>
    %dma_start3A_19 = tpu.memref_squeeze %dma_start3A_18 : memref<1x16x128xf32, #tpu.memory_space<vmem>> -> memref<16x128xf32, #tpu.memory_space<vmem>>
    %dma_start3A_20 = arith.constant 0 : i32
    %dma_start3A_21 = tpu.memref_slice %arg2[%mul3A_6, %dma_start3A_20] : memref<40960x128xf32, #tpu.memory_space<hbm>> -> memref<16x128xf32, #tpu.memory_space<hbm>>
    tpu.enqueue_dma source(%dma_start3A_21 : memref<16x128xf32, #tpu.memory_space<hbm>>) target(%dma_start3A_19 : memref<16x128xf32, #tpu.memory_space<vmem>>) target_semaphore(%dma_start3A_15 : memref<!tpu.dma_semaphore, #tpu.memory_space<semaphore_mem>>)
    %scan3A = arith.constant 0 : i32
    %scan3A_22 = arith.constant 0 : i32
    %scan3A_23 = arith.constant 80 : i32
    %scan3A_24 = arith.addi %scan3A_22, %scan3A_23 : i32
    %scan3A_25 = arith.constant 1 : i32
    scf.for %scan3A_32 = %scan3A_22 to %scan3A_24 step %scan3A_25  : i32 {
      %rem3A = arith.constant 2 : i32
      %rem3A_33 = arith.remsi %scan3A_32, %rem3A : i32
      %add3A_34 = arith.constant 1 : i32
      %add3A_35 = arith.addi %scan3A_32, %add3A_34 : i32
      %rem3A_36 = arith.constant 2 : i32
      %rem3A_37 = arith.remsi %add3A_35, %rem3A_36 : i32
      %add3A_38 = arith.constant 1 : i32
      %add3A_39 = arith.addi %scan3A_32, %add3A_38 : i32
      %lt3A = arith.constant 80 : i32
      %lt3A_40 = arith.cmpi slt, %add3A_39, %lt3A : i32
      %convert_element_type3A = arith.extui %lt3A_40 : i1 to i32
      %cond3A = arith.constant 0 : i32
      %cond3A_41 = arith.cmpi ne, %convert_element_type3A, %cond3A : i32
      scf.if %cond3A_41 {
        %add3A_61 = arith.constant 1 : i32
        %add3A_62 = arith.addi %scan3A_32, %add3A_61 : i32
        %mul3A_63 = arith.constant 16 : i32
        %mul3A_64 = arith.muli %add3A_62, %mul3A_63 : i32
        %add3A_65 = arith.addi %mul3A_6, %mul3A_64 : i32
        %dma_start3A_66 = arith.constant 0 : i32
        %dma_start3A_67 = arith.constant 0 : i32
        %dma_start3A_68 = tpu.memref_slice %arg7[%rem3A_37, %dma_start3A_66, %dma_start3A_67] : memref<2x16x128xf32, #tpu.memory_space<vmem>> -> memref<1x16x128xf32, #tpu.memory_space<vmem>>
        %dma_start3A_69 = tpu.memref_squeeze %dma_start3A_68 : memref<1x16x128xf32, #tpu.memory_space<vmem>> -> memref<16x128xf32, #tpu.memory_space<vmem>>
        %dma_start3A_70 = arith.constant 0 : i32
        %dma_start3A_71 = tpu.memref_slice %arg2[%add3A_65, %dma_start3A_70] : memref<40960x128xf32, #tpu.memory_space<hbm>> -> memref<16x128xf32, #tpu.memory_space<hbm>>
        %dma_start3A_72 = tpu.memref_slice %arg10[%rem3A_37] : memref<2x!tpu.dma_semaphore, #tpu.memory_space<semaphore_mem>> -> memref<1x!tpu.dma_semaphore, #tpu.memory_space<semaphore_mem>>
        %dma_start3A_73 = tpu.memref_squeeze %dma_start3A_72 : memref<1x!tpu.dma_semaphore, #tpu.memory_space<semaphore_mem>> -> memref<!tpu.dma_semaphore, #tpu.memory_space<semaphore_mem>>
        %dma_start3A_74 = arith.constant 0 : i32
        %dma_start3A_75 = arith.constant 0 : i32
        %dma_start3A_76 = tpu.memref_slice %arg7[%rem3A_37, %dma_start3A_74, %dma_start3A_75] : memref<2x16x128xf32, #tpu.memory_space<vmem>> -> memref<1x16x128xf32, #tpu.memory_space<vmem>>
        %dma_start3A_77 = tpu.memref_squeeze %dma_start3A_76 : memref<1x16x128xf32, #tpu.memory_space<vmem>> -> memref<16x128xf32, #tpu.memory_space<vmem>>
        %dma_start3A_78 = arith.constant 0 : i32
        %dma_start3A_79 = tpu.memref_slice %arg2[%add3A_65, %dma_start3A_78] : memref<40960x128xf32, #tpu.memory_space<hbm>> -> memref<16x128xf32, #tpu.memory_space<hbm>>
        tpu.enqueue_dma source(%dma_start3A_79 : memref<16x128xf32, #tpu.memory_space<hbm>>) target(%dma_start3A_77 : memref<16x128xf32, #tpu.memory_space<vmem>>) target_semaphore(%dma_start3A_73 : memref<!tpu.dma_semaphore, #tpu.memory_space<semaphore_mem>>)
      } else {
      }
      %dma_wait3A = arith.constant 0 : i32
      %dma_wait3A_42 = arith.constant 0 : i32
      %dma_wait3A_43 = tpu.memref_slice %arg7[%rem3A_33, %dma_wait3A, %dma_wait3A_42] : memref<2x16x128xf32, #tpu.memory_space<vmem>> -> memref<1x16x128xf32, #tpu.memory_space<vmem>>
      %dma_wait3A_44 = tpu.memref_squeeze %dma_wait3A_43 : memref<1x16x128xf32, #tpu.memory_space<vmem>> -> memref<16x128xf32, #tpu.memory_space<vmem>>
      %dma_wait3A_45 = arith.constant 0 : i32
      %dma_wait3A_46 = tpu.memref_slice %arg2[%mul3A_6, %dma_wait3A_45] : memref<40960x128xf32, #tpu.memory_space<hbm>> -> memref<16x128xf32, #tpu.memory_space<hbm>>
      %dma_wait3A_47 = tpu.memref_slice %arg10[%rem3A_33] : memref<2x!tpu.dma_semaphore, #tpu.memory_space<semaphore_mem>> -> memref<1x!tpu.dma_semaphore, #tpu.memory_space<semaphore_mem>>
      %dma_wait3A_48 = tpu.memref_squeeze %dma_wait3A_47 : memref<1x!tpu.dma_semaphore, #tpu.memory_space<semaphore_mem>> -> memref<!tpu.dma_semaphore, #tpu.memory_space<semaphore_mem>>
      %dma_wait3A_49 = arith.constant 0 : i32
      %dma_wait3A_50 = arith.constant 0 : i32
      %dma_wait3A_51 = tpu.memref_slice %arg7[%rem3A_33, %dma_wait3A_49, %dma_wait3A_50] : memref<2x16x128xf32, #tpu.memory_space<vmem>> -> memref<1x16x128xf32, #tpu.memory_space<vmem>>
      %dma_wait3A_52 = tpu.memref_squeeze %dma_wait3A_51 : memref<1x16x128xf32, #tpu.memory_space<vmem>> -> memref<16x128xf32, #tpu.memory_space<vmem>>
      %dma_wait3A_53 = arith.constant 0 : i32
      %dma_wait3A_54 = tpu.memref_slice %arg2[%mul3A_6, %dma_wait3A_53] : memref<40960x128xf32, #tpu.memory_space<hbm>> -> memref<16x128xf32, #tpu.memory_space<hbm>>
      tpu.wait_dma2 semaphore(%dma_wait3A_48 : memref<!tpu.dma_semaphore, #tpu.memory_space<semaphore_mem>>) src(%dma_wait3A_54 : memref<16x128xf32, #tpu.memory_space<hbm>>) dst(%dma_wait3A_52 : memref<16x128xf32, #tpu.memory_space<vmem>>)
      %scan3A_55 = arith.constant 0 : i32
      %scan3A_56 = arith.constant 0 : i32
      %scan3A_57 = arith.constant 16 : i32
      %scan3A_58 = arith.addi %scan3A_56, %scan3A_57 : i32
      %scan3A_59 = arith.constant 1 : i32
      scf.for %scan3A_61 = %scan3A_56 to %scan3A_58 step %scan3A_59  : i32 {
        %get3A = arith.index_cast %rem3A_33 : i32 to index
        %get3A_62 = arith.index_cast %scan3A_61 : i32 to index
        %get3A_63 = arith.constant 0 : index
        %get3A_64 = tpu.vector_load %arg7[%get3A, %get3A_62, %get3A_63] {strides = array<i32>} : memref<2x16x128xf32, #tpu.memory_space<vmem>>, vector<1x1x16xf32>,
        %get3A_65 = vector.shape_cast %get3A_64 : vector<1x1x16xf32> to vector<16xf32>
        %mul3A_66 = arith.constant 8 : i32
        %mul3A_67 = arith.muli %scan3A_61, %mul3A_66 : i32
        %add3A_68 = arith.constant 0 : i32
        %add3A_69 = arith.addi %mul3A_67, %add3A_68 : i32
        %swap3A = arith.index_cast %add3A_69 : i32 to index
        %swap3A_70 = arith.constant 0 : index
        %swap3A_71 = tpu.vector_load %arg8[%swap3A, %swap3A_70] {strides = array<i32>} : memref<128x128xf32, #tpu.memory_space<vmem>>, vector<1x16xf32>,
        %swap3A_72 = vector.shape_cast %swap3A_71 : vector<1x16xf32> to vector<16xf32>
        %swap3A_73 = vector.shape_cast %get3A_65 : vector<16xf32> to vector<1x16xf32>
        tpu.vector_store %arg8[%swap3A, %swap3A_70], %swap3A_73 {strides = array<i32>} : memref<128x128xf32, #tpu.memory_space<vmem>>, vector<1x16xf32>,
        %get3A_74 = arith.index_cast %rem3A_33 : i32 to index
        %get3A_75 = arith.index_cast %scan3A_61 : i32 to index
        %get3A_76 = arith.constant 16 : index
        %get3A_77 = tpu.vector_load %arg7[%get3A_74, %get3A_75, %get3A_76] {strides = array<i32>} : memref<2x16x128xf32, #tpu.memory_space<vmem>>, vector<1x1x16xf32>,
        %get3A_78 = vector.shape_cast %get3A_77 : vector<1x1x16xf32> to vector<16xf32>
        %mul3A_79 = arith.constant 8 : i32
        %mul3A_80 = arith.muli %scan3A_61, %mul3A_79 : i32
        %add3A_81 = arith.constant 1 : i32
        %add3A_82 = arith.addi %mul3A_80, %add3A_81 : i32
        %swap3A_83 = arith.index_cast %add3A_82 : i32 to index
        %swap3A_84 = arith.constant 0 : index
        %swap3A_85 = tpu.vector_load %arg8[%swap3A_83, %swap3A_84] {strides = array<i32>} : memref<128x128xf32, #tpu.memory_space<vmem>>, vector<1x16xf32>,
        %swap3A_86 = vector.shape_cast %swap3A_85 : vector<1x16xf32> to vector<16xf32>
        %swap3A_87 = vector.shape_cast %get3A_78 : vector<16xf32> to vector<1x16xf32>
        tpu.vector_store %arg8[%swap3A_83, %swap3A_84], %swap3A_87 {strides = array<i32>} : memref<128x128xf32, #tpu.memory_space<vmem>>, vector<1x16xf32>,
        %get3A_88 = arith.index_cast %rem3A_33 : i32 to index
        %get3A_89 = arith.index_cast %scan3A_61 : i32 to index
        %get3A_90 = arith.constant 32 : index
        %get3A_91 = tpu.vector_load %arg7[%get3A_88, %get3A_89, %get3A_90] {strides = array<i32>} : memref<2x16x128xf32, #tpu.memory_space<vmem>>, vector<1x1x16xf32>,
        %get3A_92 = vector.shape_cast %get3A_91 : vector<1x1x16xf32> to vector<16xf32>
        %mul3A_93 = arith.constant 8 : i32
        %mul3A_94 = arith.muli %scan3A_61, %mul3A_93 : i32
        %add3A_95 = arith.constant 2 : i32
        %add3A_96 = arith.addi %mul3A_94, %add3A_95 : i32
        %swap3A_97 = arith.index_cast %add3A_96 : i32 to index
        %swap3A_98 = arith.constant 0 : index
        %swap3A_99 = tpu.vector_load %arg8[%swap3A_97, %swap3A_98] {strides = array<i32>} : memref<128x128xf32, #tpu.memory_space<vmem>>, vector<1x16xf32>,
        %swap3A_100 = vector.shape_cast %swap3A_99 : vector<1x16xf32> to vector<16xf32>
        %swap3A_101 = vector.shape_cast %get3A_92 : vector<16xf32> to vector<1x16xf32>
        tpu.vector_store %arg8[%swap3A_97, %swap3A_98], %swap3A_101 {strides = array<i32>} : memref<128x128xf32, #tpu.memory_space<vmem>>, vector<1x16xf32>,
        %get3A_102 = arith.index_cast %rem3A_33 : i32 to index
        %get3A_103 = arith.index_cast %scan3A_61 : i32 to index
        %get3A_104 = arith.constant 48 : index
        %get3A_105 = tpu.vector_load %arg7[%get3A_102, %get3A_103, %get3A_104] {strides = array<i32>} : memref<2x16x128xf32, #tpu.memory_space<vmem>>, vector<1x1x16xf32>,
        %get3A_106 = vector.shape_cast %get3A_105 : vector<1x1x16xf32> to vector<16xf32>
        %mul3A_107 = arith.constant 8 : i32
        %mul3A_108 = arith.muli %scan3A_61, %mul3A_107 : i32
        %add3A_109 = arith.constant 3 : i32
        %add3A_110 = arith.addi %mul3A_108, %add3A_109 : i32
        %swap3A_111 = arith.index_cast %add3A_110 : i32 to index
        %swap3A_112 = arith.constant 0 : index
        %swap3A_113 = tpu.vector_load %arg8[%swap3A_111, %swap3A_112] {strides = array<i32>} : memref<128x128xf32, #tpu.memory_space<vmem>>, vector<1x16xf32>,
        %swap3A_114 = vector.shape_cast %swap3A_113 : vector<1x16xf32> to vector<16xf32>
        %swap3A_115 = vector.shape_cast %get3A_106 : vector<16xf32> to vector<1x16xf32>
        tpu.vector_store %arg8[%swap3A_111, %swap3A_112], %swap3A_115 {strides = array<i32>} : memref<128x128xf32, #tpu.memory_space<vmem>>, vector<1x16xf32>,
        %get3A_116 = arith.index_cast %rem3A_33 : i32 to index
        %get3A_117 = arith.index_cast %scan3A_61 : i32 to index
        %get3A_118 = arith.constant 64 : index
        %get3A_119 = tpu.vector_load %arg7[%get3A_116, %get3A_117, %get3A_118] {strides = array<i32>} : memref<2x16x128xf32, #tpu.memory_space<vmem>>, vector<1x1x16xf32>,
        %get3A_120 = vector.shape_cast %get3A_119 : vector<1x1x16xf32> to vector<16xf32>
        %mul3A_121 = arith.constant 8 : i32
        %mul3A_122 = arith.muli %scan3A_61, %mul3A_121 : i32
        %add3A_123 = arith.constant 4 : i32
        %add3A_124 = arith.addi %mul3A_122, %add3A_123 : i32
        %swap3A_125 = arith.index_cast %add3A_124 : i32 to index
        %swap3A_126 = arith.constant 0 : index
        %swap3A_127 = tpu.vector_load %arg8[%swap3A_125, %swap3A_126] {strides = array<i32>} : memref<128x128xf32, #tpu.memory_space<vmem>>, vector<1x16xf32>,
        %swap3A_128 = vector.shape_cast %swap3A_127 : vector<1x16xf32> to vector<16xf32>
        %swap3A_129 = vector.shape_cast %get3A_120 : vector<16xf32> to vector<1x16xf32>
        tpu.vector_store %arg8[%swap3A_125, %swap3A_126], %swap3A_129 {strides = array<i32>} : memref<128x128xf32, #tpu.memory_space<vmem>>, vector<1x16xf32>,
        %get3A_130 = arith.index_cast %rem3A_33 : i32 to index
        %get3A_131 = arith.index_cast %scan3A_61 : i32 to index
        %get3A_132 = arith.constant 80 : index
        %get3A_133 = tpu.vector_load %arg7[%get3A_130, %get3A_131, %get3A_132] {strides = array<i32>} : memref<2x16x128xf32, #tpu.memory_space<vmem>>, vector<1x1x16xf32>,
        %get3A_134 = vector.shape_cast %get3A_133 : vector<1x1x16xf32> to vector<16xf32>
        %mul3A_135 = arith.constant 8 : i32
        %mul3A_136 = arith.muli %scan3A_61, %mul3A_135 : i32
        %add3A_137 = arith.constant 5 : i32
        %add3A_138 = arith.addi %mul3A_136, %add3A_137 : i32
        %swap3A_139 = arith.index_cast %add3A_138 : i32 to index
        %swap3A_140 = arith.constant 0 : index
        %swap3A_141 = tpu.vector_load %arg8[%swap3A_139, %swap3A_140] {strides = array<i32>} : memref<128x128xf32, #tpu.memory_space<vmem>>, vector<1x16xf32>,
        %swap3A_142 = vector.shape_cast %swap3A_141 : vector<1x16xf32> to vector<16xf32>
        %swap3A_143 = vector.shape_cast %get3A_134 : vector<16xf32> to vector<1x16xf32>
        tpu.vector_store %arg8[%swap3A_139, %swap3A_140], %swap3A_143 {strides = array<i32>} : memref<128x128xf32, #tpu.memory_space<vmem>>, vector<1x16xf32>,
        %get3A_144 = arith.index_cast %rem3A_33 : i32 to index
        %get3A_145 = arith.index_cast %scan3A_61 : i32 to index
        %get3A_146 = arith.constant 96 : index
        %get3A_147 = tpu.vector_load %arg7[%get3A_144, %get3A_145, %get3A_146] {strides = array<i32>} : memref<2x16x128xf32, #tpu.memory_space<vmem>>, vector<1x1x16xf32>,
        %get3A_148 = vector.shape_cast %get3A_147 : vector<1x1x16xf32> to vector<16xf32>
        %mul3A_149 = arith.constant 8 : i32
        %mul3A_150 = arith.muli %scan3A_61, %mul3A_149 : i32
        %add3A_151 = arith.constant 6 : i32
        %add3A_152 = arith.addi %mul3A_150, %add3A_151 : i32
        %swap3A_153 = arith.index_cast %add3A_152 : i32 to index
        %swap3A_154 = arith.constant 0 : index
        %swap3A_155 = tpu.vector_load %arg8[%swap3A_153, %swap3A_154] {strides = array<i32>} : memref<128x128xf32, #tpu.memory_space<vmem>>, vector<1x16xf32>,
        %swap3A_156 = vector.shape_cast %swap3A_155 : vector<1x16xf32> to vector<16xf32>
        %swap3A_157 = vector.shape_cast %get3A_148 : vector<16xf32> to vector<1x16xf32>
        tpu.vector_store %arg8[%swap3A_153, %swap3A_154], %swap3A_157 {strides = array<i32>} : memref<128x128xf32, #tpu.memory_space<vmem>>, vector<1x16xf32>,
        %get3A_158 = arith.index_cast %rem3A_33 : i32 to index
        %get3A_159 = arith.index_cast %scan3A_61 : i32 to index
        %get3A_160 = arith.constant 112 : index
        %get3A_161 = tpu.vector_load %arg7[%get3A_158, %get3A_159, %get3A_160] {strides = array<i32>} : memref<2x16x128xf32, #tpu.memory_space<vmem>>, vector<1x1x16xf32>,
        %get3A_162 = vector.shape_cast %get3A_161 : vector<1x1x16xf32> to vector<16xf32>
        %mul3A_163 = arith.constant 8 : i32
        %mul3A_164 = arith.muli %scan3A_61, %mul3A_163 : i32
        %add3A_165 = arith.constant 7 : i32
        %add3A_166 = arith.addi %mul3A_164, %add3A_165 : i32
        %swap3A_167 = arith.index_cast %add3A_166 : i32 to index
        %swap3A_168 = arith.constant 0 : index
        %swap3A_169 = tpu.vector_load %arg8[%swap3A_167, %swap3A_168] {strides = array<i32>} : memref<128x128xf32, #tpu.memory_space<vmem>>, vector<1x16xf32>,
        %swap3A_170 = vector.shape_cast %swap3A_169 : vector<1x16xf32> to vector<16xf32>
        %swap3A_171 = vector.shape_cast %get3A_162 : vector<16xf32> to vector<1x16xf32>
        tpu.vector_store %arg8[%swap3A_167, %swap3A_168], %swap3A_171 {strides = array<i32>} : memref<128x128xf32, #tpu.memory_space<vmem>>, vector<1x16xf32>,
      }
      %scan3A_60 = arith.constant 16 : i32
      "tpu.region"() ({
        %run_scoped3A = tpu.sem_alloc : memref<!tpu.dma_semaphore, #tpu.memory_space<semaphore_mem>>
        %dma_start3A_61 = arith.constant 0 : i32
        %dma_start3A_62 = tpu.memref_slice %arg6[%scan3A_32, %dma_start3A_61] : memref<80x128xi32, #tpu.memory_space<vmem>> -> memref<1x128xi32, #tpu.memory_space<vmem>>
        %dma_start3A_63 = tpu.memref_squeeze %dma_start3A_62 : memref<1x128xi32, #tpu.memory_space<vmem>> -> memref<128xi32, #tpu.memory_space<vmem>>
        %dma_start3A_64 = arith.constant 0 : i32
        %dma_start3A_65 = arith.constant 0 : i32
        %dma_start3A_66 = tpu.memref_slice %arg9[%dma_start3A_64, %dma_start3A_65] : memref<10112x128xf32, #tpu.memory_space<vmem_shared>> -> memref<10112x128xf32, #tpu.memory_space<vmem_shared>>
        tpu.enqueue_indirect_dma source(%arg8 : memref<128x128xf32, #tpu.memory_space<vmem>>) target(%dma_start3A_66 : memref<10112x128xf32, #tpu.memory_space<vmem_shared>>) offsets(%dma_start3A_63 : memref<128xi32, #tpu.memory_space<vmem>>) semaphore(%run_scoped3A : memref<!tpu.dma_semaphore, #tpu.memory_space<semaphore_mem>>) {add = true}
        %dma_wait3A_67 = arith.constant 0 : i32
        %dma_wait3A_68 = tpu.memref_slice %arg6[%scan3A_32, %dma_wait3A_67] : memref<80x128xi32, #tpu.memory_space<vmem>> -> memref<1x128xi32, #tpu.memory_space<vmem>>
        %dma_wait3A_69 = tpu.memref_squeeze %dma_wait3A_68 : memref<1x128xi32, #tpu.memory_space<vmem>> -> memref<128xi32, #tpu.memory_space<vmem>>
        %dma_wait3A_70 = arith.constant 0 : i32
        %dma_wait3A_71 = arith.constant 0 : i32
        %dma_wait3A_72 = tpu.memref_slice %arg9[%dma_wait3A_70, %dma_wait3A_71] : memref<10112x128xf32, #tpu.memory_space<vmem_shared>> -> memref<10112x128xf32, #tpu.memory_space<vmem_shared>>
        tpu.wait_indirect_dma semaphore(%run_scoped3A : memref<!tpu.dma_semaphore, #tpu.memory_space<semaphore_mem>>) src(%arg8 : memref<128x128xf32, #tpu.memory_space<vmem>>) dst(%dma_wait3A_72 : memref<10112x128xf32, #tpu.memory_space<vmem_shared>>)
        tpu.yield
      }) : () -> ()
    }
    %scan3A_26 = arith.constant 80 : i32
    %barrier3A_27 = arith.constant 0 : index
    tpu.barrier barrier_id(%barrier3A_27)
    %mul3A_28 = arith.constant 632 : i32
    %mul3A_29 = arith.muli %arg1, %mul3A_28 : i32
    %mul3A_30 = arith.constant 632 : i32
    %mul3A_31 = arith.muli %arg1, %mul3A_30 : i32
    "tpu.region"() ({
      %run_scoped3A = tpu.sem_alloc : memref<!tpu.dma_semaphore, #tpu.memory_space<semaphore_mem>>
      %dma_start3A_32 = arith.constant 0 : i32
      %dma_start3A_33 = tpu.memref_slice %arg5[%arg0, %mul3A_31, %dma_start3A_32] : memref<2x10112x128xf32, #tpu.memory_space<hbm>> -> memref<1x632x128xf32, #tpu.memory_space<hbm>>
      %dma_start3A_34 = tpu.memref_squeeze %dma_start3A_33 : memref<1x632x128xf32, #tpu.memory_space<hbm>> -> memref<632x128xf32, #tpu.memory_space<hbm>>
      %dma_start3A_35 = arith.constant 0 : i32
      %dma_start3A_36 = tpu.memref_slice %arg9[%mul3A_29, %dma_start3A_35] : memref<10112x128xf32, #tpu.memory_space<vmem_shared>> -> memref<632x128xf32, #tpu.memory_space<vmem_shared>>
      tpu.enqueue_dma source(%dma_start3A_36 : memref<632x128xf32, #tpu.memory_space<vmem_shared>>) target(%dma_start3A_34 : memref<632x128xf32, #tpu.memory_space<hbm>>) target_semaphore(%run_scoped3A : memref<!tpu.dma_semaphore, #tpu.memory_space<semaphore_mem>>)
      %dma_wait3A = arith.constant 0 : i32
      %dma_wait3A_37 = tpu.memref_slice %arg5[%arg0, %mul3A_31, %dma_wait3A] : memref<2x10112x128xf32, #tpu.memory_space<hbm>> -> memref<1x632x128xf32, #tpu.memory_space<hbm>>
      %dma_wait3A_38 = tpu.memref_squeeze %dma_wait3A_37 : memref<1x632x128xf32, #tpu.memory_space<hbm>> -> memref<632x128xf32, #tpu.memory_space<hbm>>
      %dma_wait3A_39 = arith.constant 0 : i32
      %dma_wait3A_40 = tpu.memref_slice %arg9[%mul3A_29, %dma_wait3A_39] : memref<10112x128xf32, #tpu.memory_space<vmem_shared>> -> memref<632x128xf32, #tpu.memory_space<vmem_shared>>
      tpu.wait_dma2 semaphore(%run_scoped3A : memref<!tpu.dma_semaphore, #tpu.memory_space<semaphore_mem>>) src(%dma_wait3A_40 : memref<632x128xf32, #tpu.memory_space<vmem_shared>>) dst(%dma_wait3A_38 : memref<632x128xf32, #tpu.memory_space<hbm>>)
      tpu.yield
    }) : () -> ()
    return
  }
}

</mosaic_0001>

<sc_bundles>
// kernel: _sc_eagg.3.cloned.1.call-start
scs
__scs_entry_jumppad:
0x0: {  	(pc) =	sbr.rel $0x88, $3  }
0x1: {  	(tag) =	ssettag $0x0;
	lr =	simm.s32 $0x1  }
0x2: {  	[smem:$0x3F9E] =	sst lr;
	_ =	strace $0xD0000000  }
0x3: {  	_ = 	snop  }
0x4: {  	_ = 	snop  }
0x5: {  	_ = 	snop  }
0x6: {  	_ = 	snop  }
0x7: {  	_ = 	snop  }
__scs_overlays_trampoline_lowered:
0x8: {  	[smem:$0x3FAD] =	sst s0  }
0x9: {  	[smem:$0x3FAE] =	sst s1  }
0xa: {  	[smem:$0x3FAF] =	sst s2  }
0xb: {  	[smem:$0x3FB0] =	sst s3  }
0xc: {  	[smem:$0x3FB1] =	sst s4  }
0xd: {  	[smem:$0x3FB2] =	sst s5  }
0xe: {  	[smem:$0x3FB3] =	sst s6  }
0xf: {  	[smem:$0x3FB4] =	sst s7  }
0x10: {  	[smem:$0x3FB5] =	sst s8  }
0x11: {  	[smem:$0x3FB6] =	sst s9;
	s0 =	simm.s32 @!p0 $0x0  }
0x12: {  	s1 =	sld [smem:$0x3F9C];
	s0 =	simm.s32 @p0 $0x1  }
0x13: {  	[smem:$0x3FB7] =	sst s0;
	s0 =	simm.s32 @!p1 $0x0  }
0x14: {  	s2 =	sld [smem:$0x3F9B];
	s0 =	simm.s32 @p1 $0x1  }
0x15: {  	[smem:$0x3FB8] =	sst s0;
	s0 =	simm.s32 @!p2 $0x0  }
0x16: {  	s3 =	sld [smem:$0x3FDB];
	s0 =	simm.s32 @p2 $0x1  }
0x17: {  	s4 =	simm.s32 $0x1BF5;
	[smem:$0x3FBA] =	sst s0  }
0x18: {  	s0 =	sld [smem:$0x3F9D];
	_ =	swait.ge [sflag:s4], $0x0  }
0x19: {  	s7 =	sld [smem:$0x3F9E]  }
0x1a: {  	s8 =	sadd.s32 $0xFFFFE003, lr  }
0x1b: {  	s9 =	sadd.s32 $0xFFFFFEF7, lr;
	s5 =	simm.s32 $0xFFFFFFFF;
	p2 =	slt.u32 s8, $0xFFFFF086  }
0x1c: {  	p1 =	slt.u32 s9, $0xF7A;
	s5 =	simm.s32 @!p2 $0x0  }
0x1d: {  	s5 =	simm.s32 @p1 $0x1;
	p0 =	seq.s32 s7, s2  }
0x1e: {  	s7 =	smul.u32 @!p0 $0xF7A, s2;
	p2 =	seq.s32 @!p0 s5, $0x0  }
0x1f: {  	s9 =	smul.u32 $0xF7A, s1;
	s8 =	simm.s32 @!p0 $0x1BF5;
	p2 =	por !p2, p0  }
0x20: {  	[sflag:s8] =	ssyncset.s32 @!p0 $0xFFFFF086;
	s6 =	sadd.s32 @!p0 s3, s7;
	s7 =	simm.s32 @!p0 $0x108  }
0x21: {  	s3 =	sadd.s32 s3, s9;
	s6 =	sadd.s32 @!p0 $0x88, s6;
	s7 =	simm.s32 @p2 $0x1082  }
0x22: {  	[simem:s7], [sflag:s8] =	dma.local @!p0 [hbm:s6], $0xF7A  }
0x23: {  	s9 =	sor.u32 $0xD0000000, s2;
	s6 =	simm.s32 $0x108;
	_ =	swait.ge @!p0 [sflag:s8], $0x0  }
0x24: {  	s3 =	sadd.s32 $0x88, s3;
	s6 =	simm.s32 @!p1 $0x1082;
	[sflag:s4] =	ssyncset.s32 $0xFFFFF086  }
0x25: {  	[simem:s6], [sflag:s4] =	dma.local [hbm:s3], $0xF7A  }
0x26: {  	[smem:$0x3F9E] =	sst s1;
	(tag) =	ssettag s2;
	_ =	strace s9  }
0x27: {  	s1 =	sld [smem:$0x3FAE]  }
0x28: {  	s2 =	sld [smem:$0x3FAF]  }
0x29: {  	s4 =	sld [smem:$0x3FB1]  }
0x2a: {  	p0 =	seq.s32 s5, $0x0;
	s5 =	sld [smem:$0x3FB2]  }
0x2b: {  	s6 =	sld [smem:$0x3FB3]  }
0x2c: {  	s7 =	sld [smem:$0x3FB4]  }
0x2d: {  	s3 =	simm.s32 $0x108;
	s8 =	sld [smem:$0x3FB5]  }
0x2e: {  	s3 =	simm.s32 @!p0 $0x1082;
	s9 =	sld [smem:$0x3FB6]  }
0x2f: {  	lr =	sadd.s32 s0, s3;
	s0 =	sld [smem:$0x3FAD]  }
0x30: {  	s3 =	sld [smem:$0x3FB0]  }
0x31: {  	[smem:$0x3FB9] =	sst s10  }
0x32: {  	s10 =	sld [smem:$0x3FB7];
	_ =	sdelay $0x3  }
0x33: {  	p0 =	seq.s32 s10, $0x1;
	s10 =	sld [smem:$0x3FB9];
	_ =	sdelay $0x3  }
0x34: {  	[smem:$0x3FB9] =	sst s10  }
0x35: {  	s10 =	sld [smem:$0x3FB8];
	_ =	sdelay $0x3  }
0x36: {  	p1 =	seq.s32 s10, $0x1;
	s10 =	sld [smem:$0x3FB9];
	_ =	sdelay $0x3  }
0x37: {  	[smem:$0x3FB9] =	sst s10  }
0x38: {  	s10 =	sld [smem:$0x3FBA]  }
0x39: {  	_ = 	snop;
	(pc) =	sbr.ind lr, $3  }
0x3a: {  	_ = 	snop  }
0x3b: {  	_ = 	snop  }
0x3c: {  	p2 =	seq.s32 s10, $0x1;
	s10 =	sld [smem:$0x3FB9]  }
0x3d: {  	_ =	shalt  }
0x3e: {  	_ =	shalt  }
0x3f: {  	_ =	shalt  }
0x40: {  	_ =	shalt  }
0x41: {  	_ =	shalt  }
0x42: {  	_ =	shalt  }
0x43: {  	_ =	shalt  }
0x44: {  	_ =	shalt  }
0x45: {  	_ =	shalt  }
0x46: {  	_ =	shalt  }
0x47: {  	_ =	shalt  }
0x48: {  	_ =	shalt  }
0x49: {  	_ =	shalt  }
0x4a: {  	_ =	shalt  }
0x4b: {  	_ =	shalt  }
0x4c: {  	_ =	shalt  }
0x4d: {  	_ =	shalt  }
0x4e: {  	_ =	shalt  }
0x4f: {  	_ =	shalt  }
0x50: {  	_ =	shalt  }
0x51: {  	_ =	shalt  }
0x52: {  	_ =	shalt  }
0x53: {  	_ =	shalt  }
0x54: {  	_ =	shalt  }
0x55: {  	_ =	shalt  }
0x56: {  	_ =	shalt  }
0x57: {  	_ =	shalt  }
0x58: {  	_ =	shalt  }
0x59: {  	_ =	shalt  }
0x5a: {  	_ =	shalt  }
0x5b: {  	_ =	shalt  }
0x5c: {  	_ =	shalt  }
0x5d: {  	_ =	shalt  }
0x5e: {  	_ =	shalt  }
0x5f: {  	_ =	shalt  }
0x60: {  	_ =	shalt  }
0x61: {  	_ =	shalt  }
0x62: {  	_ =	shalt  }
0x63: {  	_ =	shalt  }
0x64: {  	_ =	shalt  }
0x65: {  	_ =	shalt  }
0x66: {  	_ =	shalt  }
0x67: {  	_ =	shalt  }
0x68: {  	_ =	shalt  }
0x69: {  	_ =	shalt  }
0x6a: {  	_ =	shalt  }
0x6b: {  	_ =	shalt  }
0x6c: {  	_ =	shalt  }
0x6d: {  	_ =	shalt  }
0x6e: {  	_ =	shalt  }
0x6f: {  	_ =	shalt  }
0x70: {  	_ =	shalt  }
0x71: {  	_ =	shalt  }
0x72: {  	_ =	shalt  }
0x73: {  	_ =	shalt  }
0x74: {  	_ =	shalt  }
0x75: {  	_ =	shalt  }
0x76: {  	_ =	shalt  }
0x77: {  	_ =	shalt  }
0x78: {  	_ =	shalt  }
0x79: {  	_ =	shalt  }
0x7a: {  	_ =	shalt  }
0x7b: {  	_ =	shalt  }
0x7c: {  	_ =	shalt  }
0x7d: {  	_ =	shalt  }
0x7e: {  	_ =	shalt  }
0x7f: {  	_ =	shalt  }
0x80: {  	_ =	shalt  }
0x81: {  	_ =	shalt  }
0x82: {  	_ =	shalt  }
0x83: {  	_ =	shalt  }
0x84: {  	_ =	shalt  }
0x85: {  	_ =	shalt  }
0x86: {  	_ =	shalt  }
0x87: {  	_ =	shalt  }
.Lfunc_end0:
.L_simem_size_0:
called_computation_lowered:
.L_overlay_start_0:
0x88: {  	s2 =	sld [smem:$0x3FD9]  }
0x89: {  	s3 =	sld [smem:$0x3FFE];
	_ =	sdelay $0x1  }
0x8a: {  	s1 =	srdreg.scid  }
0x8b: {  	s0 =	sand.u32 $0x1, s1  }
0x8c: {  	s18 =	sshll.u32 s0, $0xA;
	s2 =	sadd.s32 s3, s2  }
0x8d: {  	s2 =	sadd.s32 s2, s18  }
0x8e: {  	[smem:$0x3FC5] =	sst s2  }
0x8f: {  	_ = 	snop  }
0x90: {  	s2 =	sld [smem:$0x3FC9]  }
0x91: {  	s19 =	sld [smem:$0x3FC8]  }
0x92: {  	s4 =	sld [smem:$0x3FC7]  }
0x93: {  	s5 =	sld [smem:$0x3FD0];
	(tm) =	ssettm $0x1  }
0x94: {  	s6 =	sld [smem:$0x3FFB];
	_ =	sdelay $0x3  }
0x95: {  	_ =	strace s6  }
0x96: {  	s6 =	sld [smem:$0x3FFC];
	_ =	sdelay $0x3  }
0x97: {  	_ =	strace s6  }
0x98: {  	s6 =	sld [smem:$0x3FFD];
	_ =	sdelay $0x3  }
0x99: {  	_ =	strace s6  }
0x9a: {  	_ =	strace $0x8FFFFFFF  }
0x9b: {  	s20 =	sld [smem:$0x3FDB];
	_ =	sdelay $0x1  }
0x9c: {  	s7 =	simm.s32 $_scs_section_size  }
0x9d: {  	s8 =	simm.s32 $_size__tile_overlayer_lowered;
	s9 =	simm.s32 $_tile_overlayer_lowered  }
0x9e: {  	s23 =	simm.s32 $0x1BFF;
	s22 =	sshll.u32 s9, $0x1;
	s6 =	sadd.s32 s7, s20  }
0x9f: {  	s10 =	simm.s32 $0x0;
	s21 =	sshll.u32 s8, $0x1;
	s8 =	sadd.s32 s22, s6  }
0xa0: {  	[timem:s10], [sflag:s23] =	dma.local [hbm:s8], s21  }
0xa1: {  	_ =	swait.ge [sflag:s23], s21  }
0xa2: {  	s7 =	ssub.s32 $0x0, s21;
	[sflag:s23] =	ssyncset.done $0x0  }
0xa3: {  	[sflag:s23] =	ssyncadd.s32 s7;
	_ =	sdelay $0x1  }
0xa4: {  	s24 =	simm.s32 $0x1B8B  }
0xa5: {  	_ =	swait.ge [sflag:s24], $0x1  }
0xa6: {  	[sflag:s24] =	ssyncset.done $0x0  }
0xa7: {  	s25 =	simm.s32 $0x1B8E;
	[sflag:s24] =	ssyncadd.s32 $0xFFFFFFFF  }
0xa8: {  	s26 =	simm.s32 $execute0_lowered;
	[smem:$0x3FD2] =	sst s25  }
0xa9: {  	s7 =	sshll.u32 s26, $0x1;
	_ =	strace $0x80000046;
	[dreg:$0x1] =	wrdreg $0xFFFFFFFF  }
0xaa: {  	s28 =	simm.s32 $_size_execute0_lowered;
	s6 =	sadd.s32 s6, s7;
	[dreg:$0x0] =	wrdreg $0x0  }
0xab: {  	s7 =	sshll.u32 s28, $0x1;
	[dreg:$0x2] =	wrdreg s6  }
0xac: {  	[dreg:$0x3] =	wrdreg s7  }
0xad: {  	[dreg:$0x4] =	wrdreg $0xC0  }
0xae: {  	_ =	task [dreg:s10], $0x5FFFF  }
0xaf: {  	[dreg:$0x1] =	wrdreg $0xFFFFFFFF  }
0xb0: {  	[dreg:$0x0] =	wrdreg $0x60  }
0xb1: {  	[dreg:$0x2] =	wrdreg s2  }
0xb2: {  	[dreg:$0x3] =	wrdreg s19  }
0xb3: {  	[dreg:$0x4] =	wrdreg s4  }
0xb4: {  	[dreg:$0x5] =	wrdreg s5  }
0xb5: {  	[dreg:$0x6] =	wrdreg $0x78000  }
0xb6: {  	[dreg:$0x7] =	wrdreg $0x9  }
0xb7: {  	_ =	task.clear_ibuf [dreg:s10], $0x8FFFF;
	_ =	strace $0x90000046  }
0xb8: {  	s29 =	simm.s32 $0x9;
	_ =	strace $0x80000048  }
0xb9: {  	_ =	swait.ge [sflag:s29], $0x1  }
0xba: {  	[sflag:s29] =	ssyncadd.s32 $0xFFFFFFFF  }
0xbb: {  	_ =	strace $0x90000048  }
0xbc: {  	_ =	sfence  }
0xbd: {  	s30 =	sld [smem:$0x0];
	_ =	sdelay $0x2  }
0xbe: {  	s31 =	sshll.u32 s1, $0xD;
	s1 =	sshrl.u32 s1, $0x2  }
0xbf: {  	s3 =	sand.u32 $0x4000, s31;
	s1 =	sadd.s32 s1, s30  }
0xc0: {  	s0 =	sor.u32 s3, s0;
	s1 =	sshll.u32 s1, $0x11  }
0xc1: {  	s0 =	sor.u32 s1, s0  }
0xc2: {  	s0 =	sadd.s32 $0x8F2B, s0  }
0xc3: {  	[sflag:s0] =	ssyncadd.remote.s32 $0x1  }
0xc4: {  	_ =	sfence.sel $0xFFFF  }
0xc5: {  	[dreg:$0x0] =	wrdreg $0xFFFFFFFF;
	(pc) =	sbr.abs _section_cstart, $3  }
0xc6: {  	[dreg:$0x1] =	wrdreg $0xFFFFFFFF  }
0xc7: {  	_ =	task.clear_ibuf [dreg:s10], $0x2FFFF;
	_ =	strace $0x9FFFFFFF  }
0xc8: {  	(tm) =	ssettm $0x7FFFFFFF  }
0xc9: {  	_ =	shalt  }
tec
execute0_lowered:
.L_overlay_start_1:
0x0: {  	(tag) =	ssettag $0x1  }
0x1: {  	s1 =	rddreg [dreg:$0x0]  }
0x2: {  	s8 =	rddreg [dreg:$0x1]  }
0x3: {  	s2 =	rddreg [dreg:$0x2]  }
0x4: {  	s11 =	rddreg [dreg:$0x3]  }
0x5: {  	s3 =	rddreg [dreg:$0x4]  }
0x6: {  	s0 =	rddreg [dreg:$0x5];
	s5 =	simm.s32 $0x0;
	s6 =	srdreg.scid  }
0x7: {  	s4 =	stileid.u32;
	s17 =	simm.s32 $0x80;
	s18 =	simm.s32 $0x0  }
0x8: {  	[smem:$0x7FF] =	sst s5;
	s6 =	sand.u32 $0x1, s6;
	s9 =	smul.u32 $0x4F000, s4  }
0x9: {  	s13 =	smul.u32 $0x13C00, s4;
	s30 =	sshll.u32 s4, $0x6;
	_ =	strace $0x80000047  }
0xa: {  	s7 =	sshll.u32 s6, $0x4;
	s10 =	ssub.s32 $0x2, s6;
	s28 =	smul.u32 $0x13C000, s6  }
0xb: {  	s12 =	sor.u32 s4, s7;
	s26 =	sshrl.u32 s10, $0x1;
	s9 =	sshrl.u32 s9, $0x2  }
0xc: {  	s29 =	sshrl.u32 s13, $0x3;
	s7 =	sor.u32 $0x1C03, s30;
	s14 =	smul.u32 $0x500, s12  }
0xd: {  	s15 =	ssub.s32 s10, s26;
	s16 =	sadd.s32 s9, s3;
	s31 =	smul.u32 $0x5000, s12  }
0xe: {  	s6 =	sadd.s32 s2, s29;
	s13 =	sadd.s32 s13, s28;
	s10 =	smul.u32 $0x28000, s12  }
0xf: {  	s13 =	sshrl.u32 s13, $0x3;
	s12 =	smax.u32 s15, $0x1;
	s15 =	simm.s32 $0x3800  }
0x10: {  	s8 =	sadd.s32 s8, s14;
	s9 =	sadd.s32 s1, s31;
	s11 =	sadd.s32 s11, s13  }
0x11: {  	s13 =	sshrl.u32 s16, $0x3;
	s14 =	simm.s32 $0x3;
	s16 =	simm.s32 $0x2800  }
.LBB2_1:
0x12: {  	[spmem:s13], [sflag:s7] =	dma.local [hbm:s6], $0x2780  }
0x13: {  	_ =	swait.ge [sflag:s14], $0x2780  }
0x14: {  	[sflag:s14] =	ssyncset.done $0x0  }
0x15: {  	[sflag:s14] =	ssyncadd.s32 $0xFFFFD880  }
0x16: {  	[tilespmem:s5], [sflag:$0x3] =	stream.linear.gather [hbm4b:s8+s5], $0x2800, $0x38;
	[tilespmem:$0x1B400] =	vst v63  }
0x17: {  	_ =	swait.ge [sflag:s14], $0x2800  }
0x18: {  	[sflag:s14] =	ssyncset.done $0x0  }
0x19: {  	[sflag:s14] =	ssyncadd.s32 $0xFFFFD800  }
0x1a: {  	[tilespmem:s15], [sflag:$0x3] =	stream.linear.gather [hbm4b:s2+s5], $0x4000, $0x38;
	[tilespmem:$0x1B400] =	vst v63  }
0x1b: {  	_ =	swait.ge [sflag:s14], $0x4000  }
0x1c: {  	[sflag:s14] =	ssyncset.done $0x0  }
0x1d: {  	[sflag:s14] =	ssyncadd.s32 $0xFFFFC000  }
0x1e: {  	p0 =	por $0x0, $0x0;
	s20 =	simm.s32 $0x0;
	[bflag:$0x0] =	sbarrier.arrive $0xFFFF  }
0x1f: {  	[tilespmem:s16], [sflag:$0x1] =	stream.linear.gather [hbm4b:s9+s5], $0x800, $0x38;
	[tilespmem:$0x1B400] =	vst v63  }
.LBB2_2:
0x20: {  	s19 =	sadd.s32 $0x1, s20;
	p1 =	seq.s32 s20, $0x4F  }
0x21: {  	s21 =	sshll.u32 @!p1 s19, $0xB  }
0x22: {  	s24 =	sand.u32 $0x1, s20;
	s22 =	sand.u32 @!p1 $0x1, s19;
	s21 =	sadd.s32 @!p1 s10, s21  }
0x23: {  	s25 =	simm.s32 @!p1 $0x0;
	s23 =	sshll.u32 @!p1 s22, $0xB;
	s21 =	sshrl.u32 @!p1 s21, $0x3  }
0x24: {  	s22 =	sadd.s32 @!p1 $0x1, s22;
	s23 =	sadd.s32 @!p1 $0x2800, s23;
	s21 =	sadd.s32 @!p1 s1, s21  }
0x25: {  	[tilespmem:s23], [sflag:s22] =	stream.linear.gather @!p1 [hbm4b:s21+s25], $0x800, $0x38;
	[tilespmem:$0x1B400] =	vst v63  }
0x26: {  	s31 =	sadd.s32 $0x1, s24;
	s21 =	simm.s32 $0x1  }
0x27: {  	s21 =	simm.s32 @!p0 $0x0;
	_ =	swait.ge [sflag:s31], $0x800  }
0x28: {  	s21 =	sshll.u32 s21, $0xB;
	[sflag:s31] =	ssyncset.done $0x0  }
0x29: {  	s21 =	sadd.s32 $0x2840, s21;
	[sflag:s31] =	ssyncadd.s32 $0xFFFFF800  }
0x2a: {  	s22 =	simm.s32 $0x0;
	s23 =	simm.s32 $0x1000;
	v0 =	vld [tilespmem:s21+$0xFFFFFFC0]  }
.LBB2_3:
0x2b: {  	p1 =	sne.s32 s23, $0xF000;
	_ =	sdelay $0x2  }
0x2c: {  	s24 =	sshra.s32 s22, $0x2;
	s22 =	smov.u32 s23  }
0x2d: {  	[tilespmem:s24+$0x3800] =	vst v0  }
0x2e: {  	v0 =	vld [tilespmem:s21+$0xFFFFFFD0];
	_ =	sdelay $0x4  }
0x2f: {  	[tilespmem:s24+$0x3880] =	vst v0  }
0x30: {  	v0 =	vld [tilespmem:s21+$0xFFFFFFE0];
	_ =	sdelay $0x4  }
0x31: {  	[tilespmem:s24+$0x3900] =	vst v0  }
0x32: {  	v0 =	vld [tilespmem:s21+$0xFFFFFFF0];
	_ =	sdelay $0x4  }
0x33: {  	[tilespmem:s24+$0x3980] =	vst v0  }
0x34: {  	v0 =	vld [tilespmem:s21+$0x0];
	_ =	sdelay $0x4  }
0x35: {  	[tilespmem:s24+$0x3A00] =	vst v0  }
0x36: {  	v0 =	vld [tilespmem:s21+$0x10];
	_ =	sdelay $0x4  }
0x37: {  	[tilespmem:s24+$0x3A80] =	vst v0  }
0x38: {  	v0 =	vld [tilespmem:s21+$0x20];
	_ =	sdelay $0x4  }
0x39: {  	[tilespmem:s24+$0x3B00] =	vst v0  }
0x3a: {  	v0 =	vld [tilespmem:s21+$0x30];
	_ =	sdelay $0x1  }
.Ltmp0:
0x3b: {  	(pc) =	sbr.rel @p1 .LBB2_3-.Ltmp0, $3  }
0x3c: {  	_ =	sdelay $0x1  }
0x3d: {  	s21 =	sadd.s32 $0x80, s21;
	[tilespmem:s24+$0x3B80] =	vst v0  }
0x3e: {  	s23 =	sadd.s32 $0x1000, s23;
	v0 =	vld [tilespmem:s21+$0xFFFFFFC0]  }
0x3f: {  	_ =	sdelay $0x2  }
0x40: {  	s22 =	sshra.s32 s22, $0x2  }
0x41: {  	[tilespmem:s22+$0x3800] =	vst v0  }
0x42: {  	v0 =	vld [tilespmem:s21+$0xFFFFFFD0];
	_ =	sdelay $0x4  }
0x43: {  	[tilespmem:s22+$0x3880] =	vst v0  }
0x44: {  	v0 =	vld [tilespmem:s21+$0xFFFFFFE0];
	_ =	sdelay $0x4  }
0x45: {  	[tilespmem:s22+$0x3900] =	vst v0  }
0x46: {  	v0 =	vld [tilespmem:s21+$0xFFFFFFF0];
	_ =	sdelay $0x4  }
0x47: {  	[tilespmem:s22+$0x3980] =	vst v0  }
0x48: {  	v0 =	vld [tilespmem:s21+$0x0];
	_ =	sdelay $0x4  }
0x49: {  	[tilespmem:s22+$0x3A00] =	vst v0  }
0x4a: {  	v0 =	vld [tilespmem:s21+$0x10];
	_ =	sdelay $0x4  }
0x4b: {  	[tilespmem:s22+$0x3A80] =	vst v0  }
0x4c: {  	v0 =	vld [tilespmem:s21+$0x20];
	_ =	sdelay $0x4  }
0x4d: {  	[tilespmem:s22+$0x3B00] =	vst v0  }
0x4e: {  	v0 =	vld [tilespmem:s21+$0x30];
	_ =	sdelay $0x3  }
0x4f: {  	s20 =	sshll.u32 s20, $0x7;
	p1 =	sne.s32 s19, $0x50  }
.Ltmp1:
0x50: {  	s20 =	sand.u32 $0x3FFFFF80, s20;
	[tilespmem:s22+$0x3B80] =	vst v0;
	(pc) =	sbr.rel @p1 .LBB2_2-.Ltmp1, $4  }
0x51: {  	[spmem:s3] =	stream.indirect.scatter.add.f32 [tilespmem:s15], [sflag:$0x3], $0x80, s20, s17, $0xb8;
	[tilespmem:$0x1B400] =	vst v63  }
0x52: {  	_ =	swait.ge [sflag:s14], $0x4000  }
0x53: {  	[sflag:s14] =	ssyncset.done $0x0  }
0x54: {  	p0 =	por !p0, !p0;
	s20 =	smov.u32 s19;
	[sflag:s14] =	ssyncadd.s32 $0xFFFFC000  }
0x55: {  	s18 =	sadd.s32 $0x1, s18  }
0x56: {  	p0 =	sne.s32 s18, s12  }
.Ltmp2:
0x57: {  	[bflag:$0x0] =	sbarrier.arrive $0xFFFF;
	(pc) =	sbr.rel @p0 .LBB2_1-.Ltmp2, $4  }
0x58: {  	[hbm:s11], [sflag:s7] =	dma.local [spmem:s13], $0x2780  }
0x59: {  	_ =	swait.ge [sflag:s14], $0x2780  }
0x5a: {  	[sflag:s14] =	ssyncset.done $0x0  }
0x5b: {  	[sflag:s14] =	ssyncadd.s32 $0xFFFFD880  }
0x5c: {  	_ =	sfence.sel $0x180000  }
0x5d: {  	[bflag:$0x0] =	sbarrier.arrive $0xFFFF  }
0x5e: {  	p0 =	sne.s32 s4, $0x0;
	_ =	strace $0x90000047  }
0x5f: {  	s0 =	sadd.s32 @!p0 $0x100000, s0;
	[bflag:$0x2] =	sbarrier.arrive $0xFFFF  }
0x60: {  	[sflag:s0] =	ssyncadd.tile.s32 @!p0 $0x1;
	_ =	shalt  }
.Lfunc_end2:
_tile_overlayer_lowered:
.L_overlay_start_2:
0x61: {  	(tag) =	ssettag $0x2  }
0x62: {  	s0 =	rddreg [dreg:$0x0];
	s2 =	stileid.u32  }
0x63: {  	s1 =	rddreg [dreg:$0x1];
	p0 =	sne.s32 s2, $0x0  }
0x64: {  	s3 =	rddreg [dreg:$0x2];
	[bflag:$0x3] =	sbarrier.arrive $0xFFFF;
	s2 =	simm.s32 @!p0 $0x1C03  }
0x65: {  	[timem:s3], [sflag:s2] =	dma.local @!p0 [hbm:s0], s1  }
0x66: {  	s0 =	simm.s32 @!p0 $0x3  }
0x67: {  	_ =	swait.ge @!p0 [sflag:s0], s1  }
0x68: {  	s1 =	ssub.s32 @!p0 $0x0, s1;
	[sflag:s0] =	ssyncset.done @!p0 $0x0  }
0x69: {  	[sflag:s0] =	ssyncadd.s32 @!p0 s1  }
0x6a: {  	[bflag:$0x3] =	sbarrier.arrive $0xFFFF  }
0x6b: {  	_ =	shalt  }

</sc_bundles>
